<compile_context>
chip_gen: v7x
topology: tpu7x:2x2x1
jax: 0.10.2.dev20260603
libtpu: 0.0.44.dev20260713+nightly
codegen_flags: <defaults>
</compile_context>

<pallas_src>
import jax
import jax.numpy as jnp
from jax import lax
from jax.experimental import pallas as pl
from jax.experimental.pallas import tpu as pltpu, tpu_sc as plsc

_J = 3
_NW = 4
_D = 3
_N = 2048
_LANES = 16
_NSUB = 16
_W = 32
_NVREG = _W // _LANES
_PTS = _N // _NSUB
_CHUNK = _PTS * _W


def _sc_body(pc_hbm, a_hbm, out_hbm, slab_v, acc_v, part_sh, part_v, a_v, out_v):
    c = lax.axis_index("c")
    s = lax.axis_index("s")
    tile0 = jnp.logical_and(c == 0, s == 0)

    @pl.when(tile0)
    def _prefetch_alphas():
        pltpu.sync_copy(a_hbm, a_v)

    @pl.when(c == 0)
    def _reduce_slab():
        pltpu.sync_copy(pc_hbm.at[pl.ds(s * _CHUNK, _CHUNK)], slab_v)

        def step(i, accs):
            return tuple(
                accs[g] + slab_v[pl.ds(i * _W + g * _LANES, _LANES)]
                for g in range(_NVREG)
            )

        accs = lax.fori_loop(
            0,
            _PTS,
            step,
            tuple(jnp.zeros((_LANES,), jnp.float32) for _ in range(_NVREG)),
        )
        for g in range(_NVREG):
            acc_v[pl.ds(g * _LANES, _LANES)] = accs[g]
        pltpu.sync_copy(acc_v, part_sh.at[pl.ds(s * _W, _W)])

    plsc.subcore_barrier()

    @pl.when(tile0)
    def _finalize():
        pltpu.sync_copy(part_sh, part_v)
        inv_n = 1.0 / _N
        for g in range(_NVREG):
            m_vec = jnp.zeros((_LANES,), jnp.float32)
            for w in range(_NSUB):
                m_vec = m_vec + part_v[pl.ds(w * _W + g * _LANES, _LANES)]
            out_v[pl.ds(g * _LANES, _LANES)] = (
                m_vec * a_v[pl.ds(g * _LANES, _LANES)] * inv_n
            )
        pltpu.sync_copy(out_v, out_hbm)


def kernel(point_clouds, sigma, alphas):
    del sigma
    b_pc, n, d = point_clouds.shape
    n_dist = b_pc * _NW * d
    cmap = [(cc // (_NW * d)) * d + cc % d for cc in range(n_dist)] + [0] * (
        _W - n_dist
    )
    pc_t = point_clouds.transpose(1, 0, 2).reshape(n, b_pc * d)
    pc_wide = jnp.take(pc_t, jnp.array(cmap, dtype=jnp.int32), axis=1).reshape(-1)
    a_wide = jnp.concatenate(
        [
            jnp.tile(alphas.reshape(_NW * d), (b_pc,)),
            jnp.zeros((_W - n_dist,), jnp.float32),
        ]
    )
    mesh = plsc.VectorSubcoreMesh(
        core_axis_name="c", subcore_axis_name="s", num_cores=1, num_subcores=_NSUB
    )
    out32 = pl.kernel(
        _sc_body,
        out_type=jax.ShapeDtypeStruct((_W,), jnp.float32),
        mesh=mesh,
        scratch_types=[
            pltpu.VMEM((_CHUNK,), jnp.float32),
            pltpu.VMEM((_W,), jnp.float32),
            pltpu.VMEM_SHARED((_NSUB * _W,), jnp.float32),
            pltpu.VMEM((_NSUB * _W,), jnp.float32),
            pltpu.VMEM((_W,), jnp.float32),
            pltpu.VMEM((_W,), jnp.float32),
        ],
    )(pc_wide, a_wide)
    v = out32[:n_dist].reshape(b_pc, _NW, 1, d)
    return jnp.tile(v, (1, 1, _J, 1)).reshape(b_pc, _NW * _J * _D)

# --- scband reference (transcript-rebuilt; emitter-appended) ---
"""Pipeline reference for scband-graph-feat-learning-layer-41480794145238 (READ-ONLY COPY).

The authoritative reference and input builder live on the scoring server;
editing this copy changes nothing except your own understanding.
"""

import jax, jax.numpy as jnp
import numpy as np

N_WEIGHTS = 4
DIMENSION = 3
THRESHOLD = 0.01
J = 3


def compute_dist(X):
    G = X @ X.T
    diag = jnp.diag(G)
    return diag[None, :] + diag[:, None] - 2.0 * G


def setup_inputs(seed: int = 0) -> dict:
    key = jax.random.key(seed)
    k1, k2 = jax.random.split(key)
    point_clouds = jax.random.normal(k1, (2, 2048, 3), dtype=jnp.float32)
    sigma = jnp.float32(1.0)
    alphas = jax.random.uniform(k2, (N_WEIGHTS, DIMENSION), dtype=jnp.float32)
    return {"point_clouds": point_clouds, "sigma": sigma, "alphas": alphas}


def reference(point_clouds, sigma, alphas):
    B_pc = point_clouds.shape[0]
    num_points = point_clouds.shape[1]
    eye = jnp.eye(num_points, dtype=jnp.float32)
    graph_feats = []
    for p in range(B_pc):
        pc = point_clouds[p]
        for i in range(N_WEIGHTS):
            X_bar = pc * alphas[i]
            W = compute_dist(X_bar)
            W = jnp.exp(-W / sigma)
            W = jnp.where(W < THRESHOLD, jnp.zeros_like(W), W)
            deg = W.sum(0)
            W = W / deg
            # edge list weights w_vals/2 plus explicit self-loops of 0.5,
            # scatter-added at propagation time == dense lazy random walk
            P = 0.5 * W + 0.5 * eye
            # GraphWaveletTransform(...).diffusion_only(batch): dyadic diffusion
            # features mean-pooled per graph (each (p, i) pair is one graph in `batch`)
            x = X_bar
            scales = []
            for _ in range(J):
                x = P @ x
                scales.append(x.mean(axis=0))
            graph_feats.append(jnp.concatenate(scales, axis=0))
    features = jnp.stack(graph_feats, axis=0)  # [B_pc * n_weights, J * d]
    return features.reshape(B_pc, features.shape[1] * N_WEIGHTS)

if __name__ == "__main__":
    import jax
    _d = setup_inputs()
    print(jax.jit(kernel)(*tuple(_d.values())))

</pallas_src>

<mosaic_0001>
#map = affine_map<(d0, d1) -> (0)>
module attributes {stable_mosaic.version = 14 : i64} {
  func.func @_sc_body(%arg0: i32, %arg1: i32, %arg2: memref<65536xf32, #tpu.memory_space<hbm>>, %arg3: memref<32xf32, #tpu.memory_space<hbm>>, %arg4: memref<32xf32, #tpu.memory_space<hbm>>, %arg5: memref<4096xf32, #tpu.memory_space<vmem>>, %arg6: memref<32xf32, #tpu.memory_space<vmem>>, %arg7: memref<512xf32, #tpu.memory_space<vmem_shared>>, %arg8: memref<512xf32, #tpu.memory_space<vmem>>, %arg9: memref<32xf32, #tpu.memory_space<vmem>>, %arg10: memref<32xf32, #tpu.memory_space<vmem>>) attributes {dimension_semantics = [#tpu.dimension_semantics<core_parallel>, #tpu.dimension_semantics<subcore_parallel>], iteration_bounds = array<i64: 1, 16>, scalar_prefetch = 0 : i64, scratch_operands = 6 : i64, tpu.core_type = #tpu.core_type<sc_vector_subcore>, window_params = [{transform_indices = #map}, {transform_indices = #map}, {transform_indices = #map}]} {
    %eq3A = arith.constant 0 : i32
    %eq3A_0 = arith.cmpi eq, %arg0, %eq3A : i32
    %eq3A_1 = arith.constant 0 : i32
    %eq3A_2 = arith.cmpi eq, %arg1, %eq3A_1 : i32
    %and3A = arith.andi %eq3A_0, %eq3A_2 : i1
    %convert_element_type3A = arith.extui %and3A : i1 to i32
    %cond3A = arith.constant 0 : i32
    %cond3A_3 = arith.cmpi ne, %convert_element_type3A, %cond3A : i32
    scf.if %cond3A_3 {
      "tpu.region"() ({
        %run_scoped3A = tpu.sem_alloc : memref<!tpu.dma_semaphore, #tpu.memory_space<semaphore_mem>>
        tpu.enqueue_dma source(%arg3 : memref<32xf32, #tpu.memory_space<hbm>>) target(%arg9 : memref<32xf32, #tpu.memory_space<vmem>>) target_semaphore(%run_scoped3A : memref<!tpu.dma_semaphore, #tpu.memory_space<semaphore_mem>>)
        tpu.wait_dma2 semaphore(%run_scoped3A : memref<!tpu.dma_semaphore, #tpu.memory_space<semaphore_mem>>) src(%arg3 : memref<32xf32, #tpu.memory_space<hbm>>) dst(%arg9 : memref<32xf32, #tpu.memory_space<vmem>>)
        tpu.yield
      }) : () -> ()
    } else {
    }
    %eq3A_4 = arith.constant 0 : i32
    %eq3A_5 = arith.cmpi eq, %arg0, %eq3A_4 : i32
    %convert_element_type3A_6 = arith.extui %eq3A_5 : i1 to i32
    %cond3A_7 = arith.constant 0 : i32
    %cond3A_8 = arith.cmpi ne, %convert_element_type3A_6, %cond3A_7 : i32
    scf.if %cond3A_8 {
      %mul3A = arith.constant 4096 : i32
      %mul3A_12 = arith.muli %arg1, %mul3A : i32
      "tpu.region"() ({
        %run_scoped3A = tpu.sem_alloc : memref<!tpu.dma_semaphore, #tpu.memory_space<semaphore_mem>>
        %dma_start3A = tpu.memref_slice %arg2[%mul3A_12] : memref<65536xf32, #tpu.memory_space<hbm>> -> memref<4096xf32, #tpu.memory_space<hbm>>
        %dma_start3A_30 = tpu.memref_slice %arg2[%mul3A_12] : memref<65536xf32, #tpu.memory_space<hbm>> -> memref<4096xf32, #tpu.memory_space<hbm>>
        tpu.enqueue_dma source(%dma_start3A_30 : memref<4096xf32, #tpu.memory_space<hbm>>) target(%arg5 : memref<4096xf32, #tpu.memory_space<vmem>>) target_semaphore(%run_scoped3A : memref<!tpu.dma_semaphore, #tpu.memory_space<semaphore_mem>>)
        %dma_wait3A = tpu.memref_slice %arg2[%mul3A_12] : memref<65536xf32, #tpu.memory_space<hbm>> -> memref<4096xf32, #tpu.memory_space<hbm>>
        %dma_wait3A_31 = tpu.memref_slice %arg2[%mul3A_12] : memref<65536xf32, #tpu.memory_space<hbm>> -> memref<4096xf32, #tpu.memory_space<hbm>>
        tpu.wait_dma2 semaphore(%run_scoped3A : memref<!tpu.dma_semaphore, #tpu.memory_space<semaphore_mem>>) src(%dma_wait3A_31 : memref<4096xf32, #tpu.memory_space<hbm>>) dst(%arg5 : memref<4096xf32, #tpu.memory_space<vmem>>)
        tpu.yield
      }) : () -> ()
      %broadcast_in_dim3A = arith.constant 0.000000e+00 : f32
      %broadcast_in_dim3A_13 = vector.broadcast %broadcast_in_dim3A : f32 to vector<16xf32>
      %broadcast_in_dim3A_14 = arith.constant 0.000000e+00 : f32
      %broadcast_in_dim3A_15 = vector.broadcast %broadcast_in_dim3A_14 : f32 to vector<16xf32>
      %scan3A = arith.constant 0 : i32
      %scan3A_16 = arith.constant 128 : i32
      %scan3A_17 = arith.addi %scan3A, %scan3A_16 : i32
      %scan3A_18 = arith.constant 1 : i32
      %scan3A_19:2 = scf.for %scan3A_30 = %scan3A to %scan3A_17 step %scan3A_18 iter_args(%scan3A_31 = %broadcast_in_dim3A_13, %scan3A_32 = %broadcast_in_dim3A_15) -> (vector<16xf32>, vector<16xf32>)  : i32 {
        %mul3A_33 = arith.constant 32 : i32
        %mul3A_34 = arith.muli %scan3A_30, %mul3A_33 : i32
        %add3A = arith.constant 0 : i32
        %add3A_35 = arith.addi %mul3A_34, %add3A : i32
        %get3A = arith.index_cast %add3A_35 : i32 to index
        %get3A_36 = tpu.vector_load %arg5[%get3A] {strides = array<i32>} : memref<4096xf32, #tpu.memory_space<vmem>>, vector<16xf32>,
        %get3A_37 = vector.shape_cast %get3A_36 : vector<16xf32> to vector<16xf32>
        %add3A_38 = arith.addf %scan3A_31, %get3A_37 : vector<16xf32>
        %mul3A_39 = arith.constant 32 : i32
        %mul3A_40 = arith.muli %scan3A_30, %mul3A_39 : i32
        %add3A_41 = arith.constant 16 : i32
        %add3A_42 = arith.addi %mul3A_40, %add3A_41 : i32
        %get3A_43 = arith.index_cast %add3A_42 : i32 to index
        %get3A_44 = tpu.vector_load %arg5[%get3A_43] {strides = array<i32>} : memref<4096xf32, #tpu.memory_space<vmem>>, vector<16xf32>,
        %get3A_45 = vector.shape_cast %get3A_44 : vector<16xf32> to vector<16xf32>
        %add3A_46 = arith.addf %scan3A_32, %get3A_45 : vector<16xf32>
        scf.yield %add3A_38, %add3A_46 : vector<16xf32>, vector<16xf32>
      }
      %scan3A_20 = arith.constant 128 : i32
      %swap3A = arith.constant 0 : index
      %swap3A_21 = tpu.vector_load %arg6[%swap3A] {strides = array<i32>} : memref<32xf32, #tpu.memory_space<vmem>>, vector<16xf32>,
      %swap3A_22 = vector.shape_cast %swap3A_21 : vector<16xf32> to vector<16xf32>
      %swap3A_23 = vector.shape_cast %scan3A_19#0 : vector<16xf32> to vector<16xf32>
      tpu.vector_store %arg6[%swap3A], %swap3A_23 {strides = array<i32>} : memref<32xf32, #tpu.memory_space<vmem>>, vector<16xf32>,
      %swap3A_24 = arith.constant 16 : index
      %swap3A_25 = tpu.vector_load %arg6[%swap3A_24] {strides = array<i32>} : memref<32xf32, #tpu.memory_space<vmem>>, vector<16xf32>,
      %swap3A_26 = vector.shape_cast %swap3A_25 : vector<16xf32> to vector<16xf32>
      %swap3A_27 = vector.shape_cast %scan3A_19#1 : vector<16xf32> to vector<16xf32>
      tpu.vector_store %arg6[%swap3A_24], %swap3A_27 {strides = array<i32>} : memref<32xf32, #tpu.memory_space<vmem>>, vector<16xf32>,
      %mul3A_28 = arith.constant 32 : i32
      %mul3A_29 = arith.muli %arg1, %mul3A_28 : i32
      "tpu.region"() ({
        %run_scoped3A = tpu.sem_alloc : memref<!tpu.dma_semaphore, #tpu.memory_space<semaphore_mem>>
        %dma_start3A = tpu.memref_slice %arg7[%mul3A_29] : memref<512xf32, #tpu.memory_space<vmem_shared>> -> memref<32xf32, #tpu.memory_space<vmem_shared>>
        %dma_start3A_30 = tpu.memref_slice %arg7[%mul3A_29] : memref<512xf32, #tpu.memory_space<vmem_shared>> -> memref<32xf32, #tpu.memory_space<vmem_shared>>
        tpu.enqueue_dma source(%arg6 : memref<32xf32, #tpu.memory_space<vmem>>) target(%dma_start3A_30 : memref<32xf32, #tpu.memory_space<vmem_shared>>) target_semaphore(%run_scoped3A : memref<!tpu.dma_semaphore, #tpu.memory_space<semaphore_mem>>)
        %dma_wait3A = tpu.memref_slice %arg7[%mul3A_29] : memref<512xf32, #tpu.memory_space<vmem_shared>> -> memref<32xf32, #tpu.memory_space<vmem_shared>>
        %dma_wait3A_31 = tpu.memref_slice %arg7[%mul3A_29] : memref<512xf32, #tpu.memory_space<vmem_shared>> -> memref<32xf32, #tpu.memory_space<vmem_shared>>
        tpu.wait_dma2 semaphore(%run_scoped3A : memref<!tpu.dma_semaphore, #tpu.memory_space<semaphore_mem>>) src(%arg6 : memref<32xf32, #tpu.memory_space<vmem>>) dst(%dma_wait3A_31 : memref<32xf32, #tpu.memory_space<vmem_shared>>)
        tpu.yield
      }) : () -> ()
    } else {
    }
    %barrier3A = arith.constant 0 : index
    tpu.barrier barrier_id(%barrier3A)
    %convert_element_type3A_9 = arith.extui %and3A : i1 to i32
    %cond3A_10 = arith.constant 0 : i32
    %cond3A_11 = arith.cmpi ne, %convert_element_type3A_9, %cond3A_10 : i32
    scf.if %cond3A_11 {
      "tpu.region"() ({
        %run_scoped3A = tpu.sem_alloc : memref<!tpu.dma_semaphore, #tpu.memory_space<semaphore_mem>>
        tpu.enqueue_dma source(%arg7 : memref<512xf32, #tpu.memory_space<vmem_shared>>) target(%arg8 : memref<512xf32, #tpu.memory_space<vmem>>) target_semaphore(%run_scoped3A : memref<!tpu.dma_semaphore, #tpu.memory_space<semaphore_mem>>)
        tpu.wait_dma2 semaphore(%run_scoped3A : memref<!tpu.dma_semaphore, #tpu.memory_space<semaphore_mem>>) src(%arg7 : memref<512xf32, #tpu.memory_space<vmem_shared>>) dst(%arg8 : memref<512xf32, #tpu.memory_space<vmem>>)
        tpu.yield
      }) : () -> ()
      %broadcast_in_dim3A = arith.constant 0.000000e+00 : f32
      %broadcast_in_dim3A_12 = vector.broadcast %broadcast_in_dim3A : f32 to vector<16xf32>
      %get3A = arith.constant 0 : index
      %get3A_13 = tpu.vector_load %arg8[%get3A] {strides = array<i32>} : memref<512xf32, #tpu.memory_space<vmem>>, vector<16xf32>,
      %get3A_14 = vector.shape_cast %get3A_13 : vector<16xf32> to vector<16xf32>
      %add3A = arith.addf %broadcast_in_dim3A_12, %get3A_14 : vector<16xf32>
      %get3A_15 = arith.constant 32 : index
      %get3A_16 = tpu.vector_load %arg8[%get3A_15] {strides = array<i32>} : memref<512xf32, #tpu.memory_space<vmem>>, vector<16xf32>,
      %get3A_17 = vector.shape_cast %get3A_16 : vector<16xf32> to vector<16xf32>
      %add3A_18 = arith.addf %add3A, %get3A_17 : vector<16xf32>
      %get3A_19 = arith.constant 64 : index
      %get3A_20 = tpu.vector_load %arg8[%get3A_19] {strides = array<i32>} : memref<512xf32, #tpu.memory_space<vmem>>, vector<16xf32>,
      %get3A_21 = vector.shape_cast %get3A_20 : vector<16xf32> to vector<16xf32>
      %add3A_22 = arith.addf %add3A_18, %get3A_21 : vector<16xf32>
      %get3A_23 = arith.constant 96 : index
      %get3A_24 = tpu.vector_load %arg8[%get3A_23] {strides = array<i32>} : memref<512xf32, #tpu.memory_space<vmem>>, vector<16xf32>,
      %get3A_25 = vector.shape_cast %get3A_24 : vector<16xf32> to vector<16xf32>
      %add3A_26 = arith.addf %add3A_22, %get3A_25 : vector<16xf32>
      %get3A_27 = arith.constant 128 : index
      %get3A_28 = tpu.vector_load %arg8[%get3A_27] {strides = array<i32>} : memref<512xf32, #tpu.memory_space<vmem>>, vector<16xf32>,
      %get3A_29 = vector.shape_cast %get3A_28 : vector<16xf32> to vector<16xf32>
      %add3A_30 = arith.addf %add3A_26, %get3A_29 : vector<16xf32>
      %get3A_31 = arith.constant 160 : index
      %get3A_32 = tpu.vector_load %arg8[%get3A_31] {strides = array<i32>} : memref<512xf32, #tpu.memory_space<vmem>>, vector<16xf32>,
      %get3A_33 = vector.shape_cast %get3A_32 : vector<16xf32> to vector<16xf32>
      %add3A_34 = arith.addf %add3A_30, %get3A_33 : vector<16xf32>
      %get3A_35 = arith.constant 192 : index
      %get3A_36 = tpu.vector_load %arg8[%get3A_35] {strides = array<i32>} : memref<512xf32, #tpu.memory_space<vmem>>, vector<16xf32>,
      %get3A_37 = vector.shape_cast %get3A_36 : vector<16xf32> to vector<16xf32>
      %add3A_38 = arith.addf %add3A_34, %get3A_37 : vector<16xf32>
      %get3A_39 = arith.constant 224 : index
      %get3A_40 = tpu.vector_load %arg8[%get3A_39] {strides = array<i32>} : memref<512xf32, #tpu.memory_space<vmem>>, vector<16xf32>,
      %get3A_41 = vector.shape_cast %get3A_40 : vector<16xf32> to vector<16xf32>
      %add3A_42 = arith.addf %add3A_38, %get3A_41 : vector<16xf32>
      %get3A_43 = arith.constant 256 : index
      %get3A_44 = tpu.vector_load %arg8[%get3A_43] {strides = array<i32>} : memref<512xf32, #tpu.memory_space<vmem>>, vector<16xf32>,
      %get3A_45 = vector.shape_cast %get3A_44 : vector<16xf32> to vector<16xf32>
      %add3A_46 = arith.addf %add3A_42, %get3A_45 : vector<16xf32>
      %get3A_47 = arith.constant 288 : index
      %get3A_48 = tpu.vector_load %arg8[%get3A_47] {strides = array<i32>} : memref<512xf32, #tpu.memory_space<vmem>>, vector<16xf32>,
      %get3A_49 = vector.shape_cast %get3A_48 : vector<16xf32> to vector<16xf32>
      %add3A_50 = arith.addf %add3A_46, %get3A_49 : vector<16xf32>
      %get3A_51 = arith.constant 320 : index
      %get3A_52 = tpu.vector_load %arg8[%get3A_51] {strides = array<i32>} : memref<512xf32, #tpu.memory_space<vmem>>, vector<16xf32>,
      %get3A_53 = vector.shape_cast %get3A_52 : vector<16xf32> to vector<16xf32>
      %add3A_54 = arith.addf %add3A_50, %get3A_53 : vector<16xf32>
      %get3A_55 = arith.constant 352 : index
      %get3A_56 = tpu.vector_load %arg8[%get3A_55] {strides = array<i32>} : memref<512xf32, #tpu.memory_space<vmem>>, vector<16xf32>,
      %get3A_57 = vector.shape_cast %get3A_56 : vector<16xf32> to vector<16xf32>
      %add3A_58 = arith.addf %add3A_54, %get3A_57 : vector<16xf32>
      %get3A_59 = arith.constant 384 : index
      %get3A_60 = tpu.vector_load %arg8[%get3A_59] {strides = array<i32>} : memref<512xf32, #tpu.memory_space<vmem>>, vector<16xf32>,
      %get3A_61 = vector.shape_cast %get3A_60 : vector<16xf32> to vector<16xf32>
      %add3A_62 = arith.addf %add3A_58, %get3A_61 : vector<16xf32>
      %get3A_63 = arith.constant 416 : index
      %get3A_64 = tpu.vector_load %arg8[%get3A_63] {strides = array<i32>} : memref<512xf32, #tpu.memory_space<vmem>>, vector<16xf32>,
      %get3A_65 = vector.shape_cast %get3A_64 : vector<16xf32> to vector<16xf32>
      %add3A_66 = arith.addf %add3A_62, %get3A_65 : vector<16xf32>
      %get3A_67 = arith.constant 448 : index
      %get3A_68 = tpu.vector_load %arg8[%get3A_67] {strides = array<i32>} : memref<512xf32, #tpu.memory_space<vmem>>, vector<16xf32>,
      %get3A_69 = vector.shape_cast %get3A_68 : vector<16xf32> to vector<16xf32>
      %add3A_70 = arith.addf %add3A_66, %get3A_69 : vector<16xf32>
      %get3A_71 = arith.constant 480 : index
      %get3A_72 = tpu.vector_load %arg8[%get3A_71] {strides = array<i32>} : memref<512xf32, #tpu.memory_space<vmem>>, vector<16xf32>,
      %get3A_73 = vector.shape_cast %get3A_72 : vector<16xf32> to vector<16xf32>
      %add3A_74 = arith.addf %add3A_70, %get3A_73 : vector<16xf32>
      %get3A_75 = arith.constant 0 : index
      %get3A_76 = tpu.vector_load %arg9[%get3A_75] {strides = array<i32>} : memref<32xf32, #tpu.memory_space<vmem>>, vector<16xf32>,
      %get3A_77 = vector.shape_cast %get3A_76 : vector<16xf32> to vector<16xf32>
      %mul3A = arith.mulf %add3A_74, %get3A_77 : vector<16xf32>
      %mul3A_78 = arith.constant 4.8828125E-4 : f32
      %mul3A_79 = vector.broadcast %mul3A_78 : f32 to vector<16xf32>
      %mul3A_80 = arith.mulf %mul3A, %mul3A_79 : vector<16xf32>
      %swap3A = arith.constant 0 : index
      %swap3A_81 = tpu.vector_load %arg10[%swap3A] {strides = array<i32>} : memref<32xf32, #tpu.memory_space<vmem>>, vector<16xf32>,
      %swap3A_82 = vector.shape_cast %swap3A_81 : vector<16xf32> to vector<16xf32>
      %swap3A_83 = vector.shape_cast %mul3A_80 : vector<16xf32> to vector<16xf32>
      tpu.vector_store %arg10[%swap3A], %swap3A_83 {strides = array<i32>} : memref<32xf32, #tpu.memory_space<vmem>>, vector<16xf32>,
      %broadcast_in_dim3A_84 = arith.constant 0.000000e+00 : f32
      %broadcast_in_dim3A_85 = vector.broadcast %broadcast_in_dim3A_84 : f32 to vector<16xf32>
      %get3A_86 = arith.constant 16 : index
      %get3A_87 = tpu.vector_load %arg8[%get3A_86] {strides = array<i32>} : memref<512xf32, #tpu.memory_space<vmem>>, vector<16xf32>,
      %get3A_88 = vector.shape_cast %get3A_87 : vector<16xf32> to vector<16xf32>
      %add3A_89 = arith.addf %broadcast_in_dim3A_85, %get3A_88 : vector<16xf32>
      %get3A_90 = arith.constant 48 : index
      %get3A_91 = tpu.vector_load %arg8[%get3A_90] {strides = array<i32>} : memref<512xf32, #tpu.memory_space<vmem>>, vector<16xf32>,
      %get3A_92 = vector.shape_cast %get3A_91 : vector<16xf32> to vector<16xf32>
      %add3A_93 = arith.addf %add3A_89, %get3A_92 : vector<16xf32>
      %get3A_94 = arith.constant 80 : index
      %get3A_95 = tpu.vector_load %arg8[%get3A_94] {strides = array<i32>} : memref<512xf32, #tpu.memory_space<vmem>>, vector<16xf32>,
      %get3A_96 = vector.shape_cast %get3A_95 : vector<16xf32> to vector<16xf32>
      %add3A_97 = arith.addf %add3A_93, %get3A_96 : vector<16xf32>
      %get3A_98 = arith.constant 112 : index
      %get3A_99 = tpu.vector_load %arg8[%get3A_98] {strides = array<i32>} : memref<512xf32, #tpu.memory_space<vmem>>, vector<16xf32>,
      %get3A_100 = vector.shape_cast %get3A_99 : vector<16xf32> to vector<16xf32>
      %add3A_101 = arith.addf %add3A_97, %get3A_100 : vector<16xf32>
      %get3A_102 = arith.constant 144 : index
      %get3A_103 = tpu.vector_load %arg8[%get3A_102] {strides = array<i32>} : memref<512xf32, #tpu.memory_space<vmem>>, vector<16xf32>,
      %get3A_104 = vector.shape_cast %get3A_103 : vector<16xf32> to vector<16xf32>
      %add3A_105 = arith.addf %add3A_101, %get3A_104 : vector<16xf32>
      %get3A_106 = arith.constant 176 : index
      %get3A_107 = tpu.vector_load %arg8[%get3A_106] {strides = array<i32>} : memref<512xf32, #tpu.memory_space<vmem>>, vector<16xf32>,
      %get3A_108 = vector.shape_cast %get3A_107 : vector<16xf32> to vector<16xf32>
      %add3A_109 = arith.addf %add3A_105, %get3A_108 : vector<16xf32>
      %get3A_110 = arith.constant 208 : index
      %get3A_111 = tpu.vector_load %arg8[%get3A_110] {strides = array<i32>} : memref<512xf32, #tpu.memory_space<vmem>>, vector<16xf32>,
      %get3A_112 = vector.shape_cast %get3A_111 : vector<16xf32> to vector<16xf32>
      %add3A_113 = arith.addf %add3A_109, %get3A_112 : vector<16xf32>
      %get3A_114 = arith.constant 240 : index
      %get3A_115 = tpu.vector_load %arg8[%get3A_114] {strides = array<i32>} : memref<512xf32, #tpu.memory_space<vmem>>, vector<16xf32>,
      %get3A_116 = vector.shape_cast %get3A_115 : vector<16xf32> to vector<16xf32>
      %add3A_117 = arith.addf %add3A_113, %get3A_116 : vector<16xf32>
      %get3A_118 = arith.constant 272 : index
      %get3A_119 = tpu.vector_load %arg8[%get3A_118] {strides = array<i32>} : memref<512xf32, #tpu.memory_space<vmem>>, vector<16xf32>,
      %get3A_120 = vector.shape_cast %get3A_119 : vector<16xf32> to vector<16xf32>
      %add3A_121 = arith.addf %add3A_117, %get3A_120 : vector<16xf32>
      %get3A_122 = arith.constant 304 : index
      %get3A_123 = tpu.vector_load %arg8[%get3A_122] {strides = array<i32>} : memref<512xf32, #tpu.memory_space<vmem>>, vector<16xf32>,
      %get3A_124 = vector.shape_cast %get3A_123 : vector<16xf32> to vector<16xf32>
      %add3A_125 = arith.addf %add3A_121, %get3A_124 : vector<16xf32>
      %get3A_126 = arith.constant 336 : index
      %get3A_127 = tpu.vector_load %arg8[%get3A_126] {strides = array<i32>} : memref<512xf32, #tpu.memory_space<vmem>>, vector<16xf32>,
      %get3A_128 = vector.shape_cast %get3A_127 : vector<16xf32> to vector<16xf32>
      %add3A_129 = arith.addf %add3A_125, %get3A_128 : vector<16xf32>
      %get3A_130 = arith.constant 368 : index
      %get3A_131 = tpu.vector_load %arg8[%get3A_130] {strides = array<i32>} : memref<512xf32, #tpu.memory_space<vmem>>, vector<16xf32>,
      %get3A_132 = vector.shape_cast %get3A_131 : vector<16xf32> to vector<16xf32>
      %add3A_133 = arith.addf %add3A_129, %get3A_132 : vector<16xf32>
      %get3A_134 = arith.constant 400 : index
      %get3A_135 = tpu.vector_load %arg8[%get3A_134] {strides = array<i32>} : memref<512xf32, #tpu.memory_space<vmem>>, vector<16xf32>,
      %get3A_136 = vector.shape_cast %get3A_135 : vector<16xf32> to vector<16xf32>
      %add3A_137 = arith.addf %add3A_133, %get3A_136 : vector<16xf32>
      %get3A_138 = arith.constant 432 : index
      %get3A_139 = tpu.vector_load %arg8[%get3A_138] {strides = array<i32>} : memref<512xf32, #tpu.memory_space<vmem>>, vector<16xf32>,
      %get3A_140 = vector.shape_cast %get3A_139 : vector<16xf32> to vector<16xf32>
      %add3A_141 = arith.addf %add3A_137, %get3A_140 : vector<16xf32>
      %get3A_142 = arith.constant 464 : index
      %get3A_143 = tpu.vector_load %arg8[%get3A_142] {strides = array<i32>} : memref<512xf32, #tpu.memory_space<vmem>>, vector<16xf32>,
      %get3A_144 = vector.shape_cast %get3A_143 : vector<16xf32> to vector<16xf32>
      %add3A_145 = arith.addf %add3A_141, %get3A_144 : vector<16xf32>
      %get3A_146 = arith.constant 496 : index
      %get3A_147 = tpu.vector_load %arg8[%get3A_146] {strides = array<i32>} : memref<512xf32, #tpu.memory_space<vmem>>, vector<16xf32>,
      %get3A_148 = vector.shape_cast %get3A_147 : vector<16xf32> to vector<16xf32>
      %add3A_149 = arith.addf %add3A_145, %get3A_148 : vector<16xf32>
      %get3A_150 = arith.constant 16 : index
      %get3A_151 = tpu.vector_load %arg9[%get3A_150] {strides = array<i32>} : memref<32xf32, #tpu.memory_space<vmem>>, vector<16xf32>,
      %get3A_152 = vector.shape_cast %get3A_151 : vector<16xf32> to vector<16xf32>
      %mul3A_153 = arith.mulf %add3A_149, %get3A_152 : vector<16xf32>
      %mul3A_154 = arith.constant 4.8828125E-4 : f32
      %mul3A_155 = vector.broadcast %mul3A_154 : f32 to vector<16xf32>
      %mul3A_156 = arith.mulf %mul3A_153, %mul3A_155 : vector<16xf32>
      %swap3A_157 = arith.constant 16 : index
      %swap3A_158 = tpu.vector_load %arg10[%swap3A_157] {strides = array<i32>} : memref<32xf32, #tpu.memory_space<vmem>>, vector<16xf32>,
      %swap3A_159 = vector.shape_cast %swap3A_158 : vector<16xf32> to vector<16xf32>
      %swap3A_160 = vector.shape_cast %mul3A_156 : vector<16xf32> to vector<16xf32>
      tpu.vector_store %arg10[%swap3A_157], %swap3A_160 {strides = array<i32>} : memref<32xf32, #tpu.memory_space<vmem>>, vector<16xf32>,
      "tpu.region"() ({
        %run_scoped3A = tpu.sem_alloc : memref<!tpu.dma_semaphore, #tpu.memory_space<semaphore_mem>>
        tpu.enqueue_dma source(%arg10 : memref<32xf32, #tpu.memory_space<vmem>>) target(%arg4 : memref<32xf32, #tpu.memory_space<hbm>>) target_semaphore(%run_scoped3A : memref<!tpu.dma_semaphore, #tpu.memory_space<semaphore_mem>>)
        tpu.wait_dma2 semaphore(%run_scoped3A : memref<!tpu.dma_semaphore, #tpu.memory_space<semaphore_mem>>) src(%arg10 : memref<32xf32, #tpu.memory_space<vmem>>) dst(%arg4 : memref<32xf32, #tpu.memory_space<hbm>>)
        tpu.yield
      }) : () -> ()
    } else {
    }
    return
  }
}

</mosaic_0001>

<sc_bundles>
// kernel: kernel.3.cloned.1.call-start
scs
__scs_entry_jumppad:
0x0: {  	(pc) =	sbr.rel $0x88, $3  }
0x1: {  	(tag) =	ssettag $0x0;
	lr =	simm.s32 $0x1  }
0x2: {  	[smem:$0x3F9F] =	sst lr;
	_ =	strace $0xD0000000  }
0x3: {  	_ = 	snop  }
0x4: {  	_ = 	snop  }
0x5: {  	_ = 	snop  }
0x6: {  	_ = 	snop  }
0x7: {  	_ = 	snop  }
__scs_overlays_trampoline_lowered:
0x8: {  	[smem:$0x3FAE] =	sst s0  }
0x9: {  	[smem:$0x3FAF] =	sst s1  }
0xa: {  	[smem:$0x3FB0] =	sst s2  }
0xb: {  	[smem:$0x3FB1] =	sst s3  }
0xc: {  	[smem:$0x3FB2] =	sst s4  }
0xd: {  	[smem:$0x3FB3] =	sst s5  }
0xe: {  	[smem:$0x3FB4] =	sst s6  }
0xf: {  	[smem:$0x3FB5] =	sst s7  }
0x10: {  	[smem:$0x3FB6] =	sst s8  }
0x11: {  	[smem:$0x3FB7] =	sst s9;
	s0 =	simm.s32 @!p0 $0x0  }
0x12: {  	s1 =	sld [smem:$0x3F9D];
	s0 =	simm.s32 @p0 $0x1  }
0x13: {  	[smem:$0x3FB8] =	sst s0;
	s0 =	simm.s32 @!p1 $0x0  }
0x14: {  	s2 =	sld [smem:$0x3F9C];
	s0 =	simm.s32 @p1 $0x1  }
0x15: {  	[smem:$0x3FB9] =	sst s0;
	s0 =	simm.s32 @!p2 $0x0  }
0x16: {  	s3 =	sld [smem:$0x3FDB];
	s0 =	simm.s32 @p2 $0x1  }
0x17: {  	s4 =	simm.s32 $0x1BF5;
	[smem:$0x3FBB] =	sst s0  }
0x18: {  	s0 =	sld [smem:$0x3F9E];
	_ =	swait.ge [sflag:s4], $0x0  }
0x19: {  	s7 =	sld [smem:$0x3F9F]  }
0x1a: {  	s8 =	sadd.s32 $0xFFFFE003, lr  }
0x1b: {  	s9 =	sadd.s32 $0xFFFFFEF7, lr;
	s5 =	simm.s32 $0xFFFFFFFF;
	p2 =	slt.u32 s8, $0xFFFFF086  }
0x1c: {  	p1 =	slt.u32 s9, $0xF7A;
	s5 =	simm.s32 @!p2 $0x0  }
0x1d: {  	s5 =	simm.s32 @p1 $0x1;
	p0 =	seq.s32 s7, s2  }
0x1e: {  	s7 =	smul.u32 @!p0 $0xF7A, s2;
	p2 =	seq.s32 @!p0 s5, $0x0  }
0x1f: {  	s9 =	smul.u32 $0xF7A, s1;
	s8 =	simm.s32 @!p0 $0x1BF5;
	p2 =	por !p2, p0  }
0x20: {  	[sflag:s8] =	ssyncset.s32 @!p0 $0xFFFFF086;
	s6 =	sadd.s32 @!p0 s3, s7;
	s7 =	simm.s32 @!p0 $0x108  }
0x21: {  	s3 =	sadd.s32 s3, s9;
	s6 =	sadd.s32 @!p0 $0x88, s6;
	s7 =	simm.s32 @p2 $0x1082  }
0x22: {  	[simem:s7], [sflag:s8] =	dma.local @!p0 [hbm:s6], $0xF7A  }
0x23: {  	s9 =	sor.u32 $0xD0000000, s2;
	s6 =	simm.s32 $0x108;
	_ =	swait.ge @!p0 [sflag:s8], $0x0  }
0x24: {  	s3 =	sadd.s32 $0x88, s3;
	s6 =	simm.s32 @!p1 $0x1082;
	[sflag:s4] =	ssyncset.s32 $0xFFFFF086  }
0x25: {  	[simem:s6], [sflag:s4] =	dma.local [hbm:s3], $0xF7A  }
0x26: {  	[smem:$0x3F9F] =	sst s1;
	(tag) =	ssettag s2;
	_ =	strace s9  }
0x27: {  	s1 =	sld [smem:$0x3FAF]  }
0x28: {  	s2 =	sld [smem:$0x3FB0]  }
0x29: {  	s4 =	sld [smem:$0x3FB2]  }
0x2a: {  	p0 =	seq.s32 s5, $0x0;
	s5 =	sld [smem:$0x3FB3]  }
0x2b: {  	s6 =	sld [smem:$0x3FB4]  }
0x2c: {  	s7 =	sld [smem:$0x3FB5]  }
0x2d: {  	s3 =	simm.s32 $0x108;
	s8 =	sld [smem:$0x3FB6]  }
0x2e: {  	s3 =	simm.s32 @!p0 $0x1082;
	s9 =	sld [smem:$0x3FB7]  }
0x2f: {  	lr =	sadd.s32 s0, s3;
	s0 =	sld [smem:$0x3FAE]  }
0x30: {  	s3 =	sld [smem:$0x3FB1]  }
0x31: {  	[smem:$0x3FBA] =	sst s10  }
0x32: {  	s10 =	sld [smem:$0x3FB8];
	_ =	sdelay $0x3  }
0x33: {  	p0 =	seq.s32 s10, $0x1;
	s10 =	sld [smem:$0x3FBA];
	_ =	sdelay $0x3  }
0x34: {  	[smem:$0x3FBA] =	sst s10  }
0x35: {  	s10 =	sld [smem:$0x3FB9];
	_ =	sdelay $0x3  }
0x36: {  	p1 =	seq.s32 s10, $0x1;
	s10 =	sld [smem:$0x3FBA];
	_ =	sdelay $0x3  }
0x37: {  	[smem:$0x3FBA] =	sst s10  }
0x38: {  	s10 =	sld [smem:$0x3FBB]  }
0x39: {  	_ = 	snop;
	(pc) =	sbr.ind lr, $3  }
0x3a: {  	_ = 	snop  }
0x3b: {  	_ = 	snop  }
0x3c: {  	p2 =	seq.s32 s10, $0x1;
	s10 =	sld [smem:$0x3FBA]  }
0x3d: {  	_ =	shalt  }
0x3e: {  	_ =	shalt  }
0x3f: {  	_ =	shalt  }
0x40: {  	_ =	shalt  }
0x41: {  	_ =	shalt  }
0x42: {  	_ =	shalt  }
0x43: {  	_ =	shalt  }
0x44: {  	_ =	shalt  }
0x45: {  	_ =	shalt  }
0x46: {  	_ =	shalt  }
0x47: {  	_ =	shalt  }
0x48: {  	_ =	shalt  }
0x49: {  	_ =	shalt  }
0x4a: {  	_ =	shalt  }
0x4b: {  	_ =	shalt  }
0x4c: {  	_ =	shalt  }
0x4d: {  	_ =	shalt  }
0x4e: {  	_ =	shalt  }
0x4f: {  	_ =	shalt  }
0x50: {  	_ =	shalt  }
0x51: {  	_ =	shalt  }
0x52: {  	_ =	shalt  }
0x53: {  	_ =	shalt  }
0x54: {  	_ =	shalt  }
0x55: {  	_ =	shalt  }
0x56: {  	_ =	shalt  }
0x57: {  	_ =	shalt  }
0x58: {  	_ =	shalt  }
0x59: {  	_ =	shalt  }
0x5a: {  	_ =	shalt  }
0x5b: {  	_ =	shalt  }
0x5c: {  	_ =	shalt  }
0x5d: {  	_ =	shalt  }
0x5e: {  	_ =	shalt  }
0x5f: {  	_ =	shalt  }
0x60: {  	_ =	shalt  }
0x61: {  	_ =	shalt  }
0x62: {  	_ =	shalt  }
0x63: {  	_ =	shalt  }
0x64: {  	_ =	shalt  }
0x65: {  	_ =	shalt  }
0x66: {  	_ =	shalt  }
0x67: {  	_ =	shalt  }
0x68: {  	_ =	shalt  }
0x69: {  	_ =	shalt  }
0x6a: {  	_ =	shalt  }
0x6b: {  	_ =	shalt  }
0x6c: {  	_ =	shalt  }
0x6d: {  	_ =	shalt  }
0x6e: {  	_ =	shalt  }
0x6f: {  	_ =	shalt  }
0x70: {  	_ =	shalt  }
0x71: {  	_ =	shalt  }
0x72: {  	_ =	shalt  }
0x73: {  	_ =	shalt  }
0x74: {  	_ =	shalt  }
0x75: {  	_ =	shalt  }
0x76: {  	_ =	shalt  }
0x77: {  	_ =	shalt  }
0x78: {  	_ =	shalt  }
0x79: {  	_ =	shalt  }
0x7a: {  	_ =	shalt  }
0x7b: {  	_ =	shalt  }
0x7c: {  	_ =	shalt  }
0x7d: {  	_ =	shalt  }
0x7e: {  	_ =	shalt  }
0x7f: {  	_ =	shalt  }
0x80: {  	_ =	shalt  }
0x81: {  	_ =	shalt  }
0x82: {  	_ =	shalt  }
0x83: {  	_ =	shalt  }
0x84: {  	_ =	shalt  }
0x85: {  	_ =	shalt  }
0x86: {  	_ =	shalt  }
0x87: {  	_ =	shalt  }
.Lfunc_end0:
.L_simem_size_0:
called_computation_lowered:
.L_overlay_start_0:
0x88: {  	s0 =	sld [smem:$0x3FD9]  }
0x89: {  	s1 =	sld [smem:$0x3FFE];
	_ =	sdelay $0x3  }
0x8a: {  	s0 =	sadd.s32 s1, s0  }
0x8b: {  	[smem:$0x3FC6] =	sst s0  }
0x8c: {  	_ = 	snop  }
0x8d: {  	s0 =	sld [smem:$0x3FD0];
	(tm) =	ssettm $0x1  }
0x8e: {  	s16 =	sld [smem:$0x3FFB];
	_ =	sdelay $0x3  }
0x8f: {  	_ =	strace s16  }
0x90: {  	s1 =	sld [smem:$0x3FFC];
	_ =	sdelay $0x3  }
0x91: {  	_ =	strace s1  }
0x92: {  	s1 =	sld [smem:$0x3FFD];
	_ =	sdelay $0x3  }
0x93: {  	_ =	strace s1  }
0x94: {  	_ =	strace $0x8FFFFFFF  }
0x95: {  	s17 =	sld [smem:$0x3FDB];
	_ =	sdelay $0x1  }
0x96: {  	s2 =	simm.s32 $_scs_section_size  }
0x97: {  	s3 =	simm.s32 $_size__tile_overlayer_lowered;
	s4 =	simm.s32 $_tile_overlayer_lowered  }
0x98: {  	s20 =	simm.s32 $0x1BFF;
	s19 =	sshll.u32 s4, $0x1;
	s1 =	sadd.s32 s2, s17  }
0x99: {  	s5 =	simm.s32 $0x0;
	s18 =	sshll.u32 s3, $0x1;
	s3 =	sadd.s32 s19, s1  }
0x9a: {  	[timem:s5], [sflag:s20] =	dma.local [hbm:s3], s18  }
0x9b: {  	_ =	swait.ge [sflag:s20], s18  }
0x9c: {  	s2 =	ssub.s32 $0x0, s18;
	[sflag:s20] =	ssyncset.done $0x0  }
0x9d: {  	[sflag:s20] =	ssyncadd.s32 s2;
	_ =	sdelay $0x1  }
0x9e: {  	s21 =	simm.s32 $0x1B8B  }
0x9f: {  	_ =	swait.ge [sflag:s21], $0x1  }
0xa0: {  	[sflag:s21] =	ssyncset.done $0x0  }
0xa1: {  	s23 =	simm.s32 $0x1B8E;
	s22 =	sld [smem:$0x3FFE];
	[sflag:s21] =	ssyncadd.s32 $0xFFFFFFFF  }
0xa2: {  	s24 =	simm.s32 $execute0_lowered;
	[smem:$0x3FD2] =	sst s23  }
0xa3: {  	s3 =	sshll.u32 s24, $0x1;
	_ =	strace $0x80000046;
	[dreg:$0x1] =	wrdreg $0xFFFFFFFF  }
0xa4: {  	s25 =	simm.s32 $_size_execute0_lowered;
	s1 =	sadd.s32 s1, s3;
	[dreg:$0x0] =	wrdreg $0x0  }
0xa5: {  	s3 =	sshll.u32 s25, $0x1;
	[dreg:$0x2] =	wrdreg s1  }
0xa6: {  	[dreg:$0x3] =	wrdreg s3  }
0xa7: {  	[dreg:$0x4] =	wrdreg $0xC0  }
0xa8: {  	_ =	task [dreg:s5], $0x5FFFF  }
0xa9: {  	[dreg:$0x1] =	wrdreg $0xFFFFFFFF  }
0xaa: {  	[dreg:$0x0] =	wrdreg $0x60  }
0xab: {  	[dreg:$0x2] =	wrdreg s22  }
0xac: {  	[dreg:$0x3] =	wrdreg s0  }
0xad: {  	[dreg:$0x4] =	wrdreg $0x10800  }
0xae: {  	[dreg:$0x5] =	wrdreg $0x9  }
0xaf: {  	_ =	task.clear_ibuf [dreg:s5], $0x6FFFF;
	_ =	strace $0x90000046  }
0xb0: {  	s26 =	simm.s32 $0x9;
	_ =	strace $0x80000048  }
0xb1: {  	_ =	swait.ge [sflag:s26], $0x1  }
0xb2: {  	[sflag:s26] =	ssyncadd.s32 $0xFFFFFFFF  }
0xb3: {  	_ =	strace $0x90000048  }
0xb4: {  	_ =	sfence  }
0xb5: {  	s28 =	sld [smem:$0x0];
	_ =	sdelay $0x1  }
0xb6: {  	s29 =	srdreg.scid  }
0xb7: {  	s30 =	sshll.u32 s29, $0xD;
	s31 =	sshrl.u32 s29, $0x2  }
0xb8: {  	s2 =	sand.u32 $0x4000, s30;
	s1 =	sand.u32 $0x1, s29;
	s0 =	sadd.s32 s31, s28  }
0xb9: {  	s1 =	sor.u32 s2, s1;
	s0 =	sshll.u32 s0, $0x11  }
0xba: {  	s0 =	sor.u32 s0, s1  }
0xbb: {  	s0 =	sadd.s32 $0x8F2B, s0  }
0xbc: {  	[sflag:s0] =	ssyncadd.remote.s32 $0x1  }
0xbd: {  	_ =	sfence.sel $0xFFFF  }
0xbe: {  	[dreg:$0x0] =	wrdreg $0xFFFFFFFF;
	(pc) =	sbr.abs _section_cstart, $3  }
0xbf: {  	[dreg:$0x1] =	wrdreg $0xFFFFFFFF  }
0xc0: {  	_ =	task.clear_ibuf [dreg:s5], $0x2FFFF;
	_ =	strace $0x9FFFFFFF  }
0xc1: {  	(tm) =	ssettm $0x7FFFFFFF  }
tec
execute0_lowered:
.L_overlay_start_1:
0x0: {  	(tag) =	ssettag $0x1  }
0x1: {  	s1 =	rddreg [dreg:$0x0]  }
0x2: {  	s2 =	rddreg [dreg:$0x1]  }
0x3: {  	s3 =	rddreg [dreg:$0x2]  }
0x4: {  	s0 =	rddreg [dreg:$0x3];
	s4 =	simm.s32 $0x0;
	s5 =	stileid.u32  }
0x5: {  	[smem:$0x7FF] =	sst s4;
	p0 =	sne.s32 s5, $0x0  }
0x6: {  	_ =	strace $0x80000047;
	s6 =	simm.s32 @!p0 $0x0;
	s7 =	simm.s32 @!p0 $0x12A0  }
0x7: {  	[tilespmem:s7], [sflag:$0x1] =	stream.linear.gather @!p0 [hbm4b:s2+s6], $0x80, $0x38;
	[tilespmem:$0x13A0] =	vst v63  }
0x8: {  	s2 =	simm.s32 @!p0 $0x1  }
0x9: {  	s28 =	sshll.u32 s5, $0x9;
	_ =	swait.ge @!p0 [sflag:s2], $0x80  }
0xa: {  	s6 =	sadd.s32 s28, s1;
	[sflag:s2] =	ssyncset.done @!p0 $0x0  }
0xb: {  	s29 =	simm.s32 $0x1;
	s6 =	sadd.s32 $0xA00, s6;
	[sflag:s2] =	ssyncadd.s32 @!p0 $0xFFFFFF80  }
0xc: {  	[tilespmem:s4], [sflag:$0x1] =	stream.linear.gather [hbm4b:s6+s4], $0x1000, $0x38;
	[tilespmem:$0x13A0] =	vst v63  }
0xd: {  	_ =	swait.ge [sflag:s29], $0x1000  }
0xe: {  	[sflag:s29] =	ssyncset.done $0x0  }
0xf: {  	s30 =	simm.s32 $0x0;
	[sflag:s29] =	ssyncadd.s32 $0xFFFFF000  }
0x10: {  	s31 =	sshll.u32 s5, $0x5;
	v0 =	vld [tilespmem:s30+$0x10]  }
0x11: {  	v1 =	vimm.f32 $0.0e+00;
	v2 =	vimm.f32 $0.0e+00;
	s1 =	sadd.s32 $0x2A00, s1;
	s2 =	sadd.s32 s31, s3;
	s4 =	simm.s32 $0x80;
	v3 =	vld [tilespmem:s30+$0x0]  }
.LBB2_1:
0x12: {  	p1 =	sne.s32 s4, $0x3F80  }
.Ltmp0:
0x13: {  	_ = 	snop;
	(pc) =	sbr.rel @p1 .LBB2_1-.Ltmp0, $4  }
0x14: {  	_ = 	snop  }
0x15: {  	s5 =	sshra.s32 s4, $0x2;
	s4 =	sadd.s32 $0x80, s4;
	v1 =	vadd.f32 v0, v1  }
0x16: {  	v0 =	vld [tilespmem:s5+$0x10];
	v2 =	vadd.f32 v3, v2  }
0x17: {  	v3 =	vld [tilespmem:s5+$0x0]  }
0x18: {  	_ =	sdelay $0x2  }
0x19: {  	v0 =	vadd.f32 v0, v1  }
0x1a: {  	v2 =	vadd.f32 v3, v2  }
0x1b: {  	[tilespmem:$0x1010] =	vst v0  }
0x1c: {  	s4 =	simm.s32 $0x1000;
	[tilespmem:$0x1000] =	vst v2  }
0x1d: {  	[spmem:s2] =	stream.linear.scatter [tilespmem:s4], [sflag:$0x1], $0x20, $0x38;
	[tilespmem:$0x13A0] =	vst v63  }
0x1e: {  	s2 =	simm.s32 $0x1  }
0x1f: {  	_ =	swait.ge [sflag:s2], $0x20  }
0x20: {  	[sflag:s2] =	ssyncset.done $0x0  }
0x21: {  	[sflag:s2] =	ssyncadd.s32 $0xFFFFFFE0  }
0x22: {  	[bflag:$0x0] =	sbarrier.arrive $0xFFFF  }
0x23: {  	_ =	sfence.sel @p0 $0x180000  }
0x24: {  	[bflag:$0x0] =	sbarrier.arrive @p0 $0xFFFF  }
0x25: {  	_ =	strace @p0 $0x90000047  }
0x26: {  	[bflag:$0x2] =	sbarrier.arrive @p0 $0xFFFF  }
0x27: {  	_ =	shalt @p0  }
.LBB2_3:
0x28: {  	s4 =	simm.s32 $0x10A0  }
0x29: {  	[tilespmem:s4], [sflag:$0x1] =	stream.linear.gather [spmem:s3], $0x200, $0x38;
	[tilespmem:$0x13A0] =	vst v63  }
0x2a: {  	_ =	swait.ge [sflag:s2], $0x200  }
0x2b: {  	[sflag:s2] =	ssyncset.done $0x0  }
0x2c: {  	[sflag:s2] =	ssyncadd.s32 $0xFFFFFE00  }
0x2d: {  	v0 =	vld [tilespmem:$0x10A0]  }
0x2e: {  	v1 =	vld [tilespmem:$0x10B0]  }
0x2f: {  	v2 =	vld [tilespmem:$0x10C0]  }
0x30: {  	v3 =	vld [tilespmem:$0x10D0]  }
0x31: {  	v4 =	vld [tilespmem:$0x10E0]  }
0x32: {  	v5 =	vld [tilespmem:$0x10F0];
	v0 =	vadd.f32 $0.0e+00, v0  }
0x33: {  	v6 =	vld [tilespmem:$0x1100];
	v1 =	vadd.f32 $0.0e+00, v1  }
0x34: {  	v37 =	vld [tilespmem:$0x1110];
	v0 =	vadd.f32 v2, v0  }
0x35: {  	v38 =	vld [tilespmem:$0x1120];
	v1 =	vadd.f32 v3, v1  }
0x36: {  	v39 =	vld [tilespmem:$0x1130];
	v0 =	vadd.f32 v4, v0  }
0x37: {  	v40 =	vld [tilespmem:$0x1140];
	v1 =	vadd.f32 v5, v1  }
0x38: {  	v41 =	vld [tilespmem:$0x1150];
	v0 =	vadd.f32 v6, v0  }
0x39: {  	v42 =	vld [tilespmem:$0x1160];
	v1 =	vadd.f32 v37, v1  }
0x3a: {  	v43 =	vld [tilespmem:$0x1170];
	v0 =	vadd.f32 v38, v0  }
0x3b: {  	v44 =	vld [tilespmem:$0x1180];
	v1 =	vadd.f32 v39, v1  }
0x3c: {  	v45 =	vld [tilespmem:$0x1190];
	v0 =	vadd.f32 v40, v0  }
0x3d: {  	v46 =	vld [tilespmem:$0x11A0];
	v1 =	vadd.f32 v41, v1  }
0x3e: {  	v47 =	vld [tilespmem:$0x11B0];
	v0 =	vadd.f32 v42, v0  }
0x3f: {  	v48 =	vld [tilespmem:$0x11C0];
	v1 =	vadd.f32 v43, v1  }
0x40: {  	v49 =	vld [tilespmem:$0x11D0];
	v0 =	vadd.f32 v44, v0  }
0x41: {  	v50 =	vld [tilespmem:$0x11E0];
	v1 =	vadd.f32 v45, v1  }
0x42: {  	v51 =	vld [tilespmem:$0x11F0];
	v0 =	vadd.f32 v46, v0  }
0x43: {  	v52 =	vld [tilespmem:$0x1200];
	v1 =	vadd.f32 v47, v1  }
0x44: {  	v53 =	vld [tilespmem:$0x1210];
	v0 =	vadd.f32 v48, v0  }
0x45: {  	v54 =	vld [tilespmem:$0x1220];
	v1 =	vadd.f32 v49, v1  }
0x46: {  	v55 =	vld [tilespmem:$0x1230];
	v0 =	vadd.f32 v50, v0  }
0x47: {  	v56 =	vld [tilespmem:$0x1240];
	v1 =	vadd.f32 v51, v1  }
0x48: {  	v57 =	vld [tilespmem:$0x1250];
	v0 =	vadd.f32 v52, v0  }
0x49: {  	v58 =	vld [tilespmem:$0x1260];
	v1 =	vadd.f32 v53, v1  }
0x4a: {  	v59 =	vld [tilespmem:$0x1270];
	v0 =	vadd.f32 v54, v0  }
0x4b: {  	v60 =	vld [tilespmem:$0x1280];
	v1 =	vadd.f32 v55, v1  }
0x4c: {  	v61 =	vld [tilespmem:$0x1290];
	v0 =	vadd.f32 v56, v0  }
0x4d: {  	v62 =	vld [tilespmem:$0x12A0];
	v1 =	vadd.f32 v57, v1  }
0x4e: {  	v63 =	vld [tilespmem:$0x12B0];
	v0 =	vadd.f32 v58, v0  }
0x4f: {  	v1 =	vadd.f32 v59, v1  }
0x50: {  	v0 =	vadd.f32 v60, v0  }
0x51: {  	v1 =	vadd.f32 v61, v1  }
0x52: {  	v0 =	vmul.f32 v62, v0  }
0x53: {  	v1 =	vmul.f32 v63, v1  }
0x54: {  	v0 =	vmul.f32 $4.882812500e-04, v0  }
0x55: {  	v1 =	vmul.f32 $4.882812500e-04, v1  }
0x56: {  	[tilespmem:$0x1320] =	vst v0  }
0x57: {  	s30 =	simm.s32 $0x0;
	s31 =	simm.s32 $0x1320;
	[tilespmem:$0x1330] =	vst v1  }
0x58: {  	[hbm4b:s1+s30] =	stream.linear.scatter [tilespmem:s31], [sflag:$0x1], $0x80, $0x38;
	[tilespmem:$0x13A0] =	vst v63  }
0x59: {  	_ =	swait.ge [sflag:s2], $0x80  }
0x5a: {  	[sflag:s2] =	ssyncset.done $0x0  }
0x5b: {  	[sflag:s2] =	ssyncadd.s32 $0xFFFFFF80  }
0x5c: {  	_ =	sfence.sel $0x180000  }
0x5d: {  	[bflag:$0x0] =	sbarrier.arrive $0xFFFF  }
0x5e: {  	_ =	strace $0x90000047  }
0x5f: {  	s0 =	sadd.s32 $0x100000, s0;
	[bflag:$0x2] =	sbarrier.arrive $0xFFFF  }
0x60: {  	[sflag:s0] =	ssyncadd.tile.s32 $0x1;
	_ =	shalt  }
.Lfunc_end2:
_tile_overlayer_lowered:
.L_overlay_start_2:
0x61: {  	(tag) =	ssettag $0x2  }
0x62: {  	s0 =	rddreg [dreg:$0x0];
	s2 =	stileid.u32  }
0x63: {  	s1 =	rddreg [dreg:$0x1];
	p0 =	sne.s32 s2, $0x0  }
0x64: {  	s3 =	rddreg [dreg:$0x2];
	[bflag:$0x3] =	sbarrier.arrive $0xFFFF;
	s2 =	simm.s32 @!p0 $0x1C01  }
0x65: {  	[timem:s3], [sflag:s2] =	dma.local @!p0 [hbm:s0], s1  }
0x66: {  	s0 =	simm.s32 @!p0 $0x1  }
0x67: {  	_ =	swait.ge @!p0 [sflag:s0], s1  }
0x68: {  	s1 =	ssub.s32 @!p0 $0x0, s1;
	[sflag:s0] =	ssyncset.done @!p0 $0x0  }
0x69: {  	[sflag:s0] =	ssyncadd.s32 @!p0 s1  }
0x6a: {  	[bflag:$0x3] =	sbarrier.arrive $0xFFFF  }
0x6b: {  	_ =	shalt  }

</sc_bundles>
